<compile_context>
chip_gen: v7x
topology: tpu7x:2x2x1
jax: 0.10.2.dev20260603
libtpu: 0.0.44.dev20260713+nightly
codegen_flags: <defaults>
</compile_context>

<pallas_src>
import functools

import jax
import jax.numpy as jnp
from jax import lax
from jax.experimental import pallas as pl
from jax.experimental.pallas import tpu as pltpu
from jax.experimental.pallas import tpu_sc as plsc

D_MODEL = 1024
BATCH = 4
SEQ_LEN = 4096
NUM_ROWS = 16384


@jax.jit
def _sc_embed(idx2, tbl_r):
    info = plsc.get_sparse_core_info()
    nc, ns = info.num_cores, info.num_subcores
    nw = nc * ns
    per_w = NUM_ROWS // nw
    assert idx2.shape == (nw, per_w)
    assert tbl_r.shape == (nw, 3 * D_MODEL)

    mesh = plsc.VectorSubcoreMesh(core_axis_name="c", subcore_axis_name="s")

    @functools.partial(
        pl.kernel,
        mesh=mesh,
        out_type=jax.ShapeDtypeStruct((BATCH, SEQ_LEN, D_MODEL), jnp.float32),
        scratch_types=(
            pltpu.VMEM((per_w,), jnp.int32),
            pltpu.VMEM((3 * D_MODEL,), jnp.float32),
            pltpu.SemaphoreType.DMA,
        ),
    )
    def k(idx_hbm, tbl_hbm, out_hbm, idx_v, tbl_v, sem):
        wid = lax.axis_index("s") * nc + lax.axis_index("c")
        wpb = SEQ_LEN // per_w
        bi = wid // wpb
        sbase = (wid % wpb) * per_w
        pltpu.sync_copy(idx_hbm.at[wid], idx_v)
        pltpu.sync_copy(tbl_hbm.at[wid], tbl_v)

        def issue(i, _):
            s = idx_v[pl.ds(i, 1)][0]
            pltpu.async_copy(
                tbl_v.at[pl.ds(s * D_MODEL, D_MODEL)],
                out_hbm.at[bi, sbase + i],
                sem)
            return 0

        lax.fori_loop(0, per_w, issue, 0)

        pltpu.make_async_copy(
            out_hbm.at[bi, pl.ds(sbase, per_w)],
            out_hbm.at[bi, pl.ds(sbase, per_w)],
            sem).wait()

    return k(idx2, tbl_r)


def kernel(segment_input, table):
    info = plsc.get_sparse_core_info()
    nw = info.num_cores * info.num_subcores
    per_w = NUM_ROWS // nw
    idx2 = segment_input.astype(jnp.int32).reshape(nw, per_w)
    tbl_r = jnp.tile(table.reshape(1, -1), (nw, 1))
    return _sc_embed(idx2, tbl_r)

# --- scband reference (transcript-rebuilt; emitter-appended) ---
"""Pipeline reference for scband-segment-embedding-10007273800317 (READ-ONLY COPY).

The authoritative reference and input builder live on the scoring server;
editing this copy changes nothing except your own understanding.
"""

import jax, jax.numpy as jnp
import numpy as np

D_MODEL = 1024
NUM_SEGMENTS = 3
BATCH = 4
SEQ_LEN = 4096


def setup_inputs(seed: int = 0) -> dict:
    key = jax.random.key(seed)
    k_idx, k_tab = jax.random.split(key)
    segment_input = jax.random.randint(k_idx, (BATCH, SEQ_LEN), 0, NUM_SEGMENTS, dtype=jnp.int64 if jax.config.read('jax_enable_x64') else jnp.int32)
    table = jax.random.normal(k_tab, (NUM_SEGMENTS, D_MODEL), dtype=jnp.float32)
    # padding_idx=0 -> row 0 is initialized to zeros in nn.Embedding
    table = table.at[0].set(0.0)
    return {"segment_input": segment_input, "table": table}


def reference(segment_input, table):
    # nn.Embedding forward: gather rows of the table by index
    output = jnp.take(table, segment_input, axis=0)
    return output

if __name__ == "__main__":
    import jax
    _d = setup_inputs()
    print(jax.jit(kernel)(*tuple(_d.values())))

</pallas_src>

<mosaic_0001>
#map = affine_map<(d0, d1) -> (0, 0)>
#map1 = affine_map<(d0, d1) -> (0, 0, 0)>
module attributes {stable_mosaic.version = 14 : i64} {
  func.func @k(%arg0: i32, %arg1: i32, %arg2: memref<32x512xi32, #tpu.memory_space<hbm>>, %arg3: memref<32x3072xf32, #tpu.memory_space<hbm>>, %arg4: memref<4x4096x1024xf32, #tpu.memory_space<hbm>>, %arg5: memref<512xi32, #tpu.memory_space<vmem>>, %arg6: memref<3072xf32, #tpu.memory_space<vmem>>, %arg7: memref<!tpu.dma_semaphore, #tpu.memory_space<semaphore_mem>>) attributes {dimension_semantics = [#tpu.dimension_semantics<core_parallel>, #tpu.dimension_semantics<subcore_parallel>], iteration_bounds = array<i64: 2, 16>, scalar_prefetch = 0 : i64, scratch_operands = 3 : i64, tpu.core_type = #tpu.core_type<sc_vector_subcore>, window_params = [{transform_indices = #map}, {transform_indices = #map}, {transform_indices = #map1}]} {
    %mul3A = arith.constant 2 : i32
    %mul3A_0 = arith.muli %arg1, %mul3A : i32
    %add3A = arith.addi %mul3A_0, %arg0 : i32
    %jit3A = arith.constant 8 : i32
    %div3A = arith.divsi %add3A, %jit3A : i32
    %sign3A = arith.constant 0 : i32
    %sign3A_1 = arith.cmpi sgt, %add3A, %sign3A : i32
    %sign3A_2 = arith.extui %sign3A_1 : i1 to i32
    %sign3A_3 = arith.constant 0 : i32
    %sign3A_4 = arith.cmpi slt, %add3A, %sign3A_3 : i32
    %sign3A_5 = arith.extui %sign3A_4 : i1 to i32
    %sign3A_6 = arith.subi %sign3A_2, %sign3A_5 : i32
    %sign3A_7 = arith.constant 0 : i32
    %sign3A_8 = arith.cmpi sgt, %jit3A, %sign3A_7 : i32
    %sign3A_9 = arith.extui %sign3A_8 : i1 to i32
    %sign3A_10 = arith.constant 0 : i32
    %sign3A_11 = arith.cmpi slt, %jit3A, %sign3A_10 : i32
    %sign3A_12 = arith.extui %sign3A_11 : i1 to i32
    %sign3A_13 = arith.subi %sign3A_9, %sign3A_12 : i32
    %ne3A = arith.cmpi ne, %sign3A_6, %sign3A_13 : i32
    %rem3A = arith.remsi %add3A, %jit3A : i32
    %ne3A_14 = arith.constant 0 : i32
    %ne3A_15 = arith.cmpi ne, %rem3A, %ne3A_14 : i32
    %and3A = arith.andi %ne3A, %ne3A_15 : i1
    %sub3A = arith.constant 1 : i32
    %sub3A_16 = arith.subi %div3A, %sub3A : i32
    %select_n3A = arith.select %and3A, %sub3A_16, %div3A : i32
    %jit3A_17 = arith.constant 8 : i32
    %eq3A = arith.constant 0 : i32
    %eq3A_18 = arith.cmpi eq, %jit3A_17, %eq3A : i32
    %jit3A_19 = arith.constant 1 : i32
    %select_n3A_20 = arith.select %eq3A_18, %jit3A_19, %jit3A_17 : i32
    %rem3A_21 = arith.remsi %add3A, %select_n3A_20 : i32
    %ne3A_22 = arith.constant 0 : i32
    %ne3A_23 = arith.cmpi ne, %rem3A_21, %ne3A_22 : i32
    %lt3A = arith.constant 0 : i32
    %lt3A_24 = arith.cmpi slt, %rem3A_21, %lt3A : i32
    %lt3A_25 = arith.constant 0 : i32
    %lt3A_26 = arith.cmpi slt, %select_n3A_20, %lt3A_25 : i32
    %ne3A_27 = arith.xori %lt3A_24, %lt3A_26 : i1
    %and3A_28 = arith.andi %ne3A_27, %ne3A_23 : i1
    %add3A_29 = arith.addi %rem3A_21, %select_n3A_20 : i32
    %select_n3A_30 = arith.select %and3A_28, %add3A_29, %rem3A_21 : i32
    %mul3A_31 = arith.constant 512 : i32
    %mul3A_32 = arith.muli %select_n3A_30, %mul3A_31 : i32
    "tpu.region"() ({
      %run_scoped3A = tpu.sem_alloc : memref<!tpu.dma_semaphore, #tpu.memory_space<semaphore_mem>>
      %dma_start3A = arith.constant 0 : i32
      %dma_start3A_44 = tpu.memref_slice %arg2[%add3A, %dma_start3A] : memref<32x512xi32, #tpu.memory_space<hbm>> -> memref<1x512xi32, #tpu.memory_space<hbm>>
      %dma_start3A_45 = tpu.memref_squeeze %dma_start3A_44 : memref<1x512xi32, #tpu.memory_space<hbm>> -> memref<512xi32, #tpu.memory_space<hbm>>
      %dma_start3A_46 = arith.constant 0 : i32
      %dma_start3A_47 = tpu.memref_slice %arg2[%add3A, %dma_start3A_46] : memref<32x512xi32, #tpu.memory_space<hbm>> -> memref<1x512xi32, #tpu.memory_space<hbm>>
      %dma_start3A_48 = tpu.memref_squeeze %dma_start3A_47 : memref<1x512xi32, #tpu.memory_space<hbm>> -> memref<512xi32, #tpu.memory_space<hbm>>
      tpu.enqueue_dma source(%dma_start3A_48 : memref<512xi32, #tpu.memory_space<hbm>>) target(%arg5 : memref<512xi32, #tpu.memory_space<vmem>>) target_semaphore(%run_scoped3A : memref<!tpu.dma_semaphore, #tpu.memory_space<semaphore_mem>>)
      %dma_wait3A_49 = arith.constant 0 : i32
      %dma_wait3A_50 = tpu.memref_slice %arg2[%add3A, %dma_wait3A_49] : memref<32x512xi32, #tpu.memory_space<hbm>> -> memref<1x512xi32, #tpu.memory_space<hbm>>
      %dma_wait3A_51 = tpu.memref_squeeze %dma_wait3A_50 : memref<1x512xi32, #tpu.memory_space<hbm>> -> memref<512xi32, #tpu.memory_space<hbm>>
      %dma_wait3A_52 = arith.constant 0 : i32
      %dma_wait3A_53 = tpu.memref_slice %arg2[%add3A, %dma_wait3A_52] : memref<32x512xi32, #tpu.memory_space<hbm>> -> memref<1x512xi32, #tpu.memory_space<hbm>>
      %dma_wait3A_54 = tpu.memref_squeeze %dma_wait3A_53 : memref<1x512xi32, #tpu.memory_space<hbm>> -> memref<512xi32, #tpu.memory_space<hbm>>
      tpu.wait_dma2 semaphore(%run_scoped3A : memref<!tpu.dma_semaphore, #tpu.memory_space<semaphore_mem>>) src(%dma_wait3A_54 : memref<512xi32, #tpu.memory_space<hbm>>) dst(%arg5 : memref<512xi32, #tpu.memory_space<vmem>>)
      tpu.yield
    }) : () -> ()
    "tpu.region"() ({
      %run_scoped3A = tpu.sem_alloc : memref<!tpu.dma_semaphore, #tpu.memory_space<semaphore_mem>>
      %dma_start3A = arith.constant 0 : i32
      %dma_start3A_44 = tpu.memref_slice %arg3[%add3A, %dma_start3A] : memref<32x3072xf32, #tpu.memory_space<hbm>> -> memref<1x3072xf32, #tpu.memory_space<hbm>>
      %dma_start3A_45 = tpu.memref_squeeze %dma_start3A_44 : memref<1x3072xf32, #tpu.memory_space<hbm>> -> memref<3072xf32, #tpu.memory_space<hbm>>
      %dma_start3A_46 = arith.constant 0 : i32
      %dma_start3A_47 = tpu.memref_slice %arg3[%add3A, %dma_start3A_46] : memref<32x3072xf32, #tpu.memory_space<hbm>> -> memref<1x3072xf32, #tpu.memory_space<hbm>>
      %dma_start3A_48 = tpu.memref_squeeze %dma_start3A_47 : memref<1x3072xf32, #tpu.memory_space<hbm>> -> memref<3072xf32, #tpu.memory_space<hbm>>
      tpu.enqueue_dma source(%dma_start3A_48 : memref<3072xf32, #tpu.memory_space<hbm>>) target(%arg6 : memref<3072xf32, #tpu.memory_space<vmem>>) target_semaphore(%run_scoped3A : memref<!tpu.dma_semaphore, #tpu.memory_space<semaphore_mem>>)
      %dma_wait3A_49 = arith.constant 0 : i32
      %dma_wait3A_50 = tpu.memref_slice %arg3[%add3A, %dma_wait3A_49] : memref<32x3072xf32, #tpu.memory_space<hbm>> -> memref<1x3072xf32, #tpu.memory_space<hbm>>
      %dma_wait3A_51 = tpu.memref_squeeze %dma_wait3A_50 : memref<1x3072xf32, #tpu.memory_space<hbm>> -> memref<3072xf32, #tpu.memory_space<hbm>>
      %dma_wait3A_52 = arith.constant 0 : i32
      %dma_wait3A_53 = tpu.memref_slice %arg3[%add3A, %dma_wait3A_52] : memref<32x3072xf32, #tpu.memory_space<hbm>> -> memref<1x3072xf32, #tpu.memory_space<hbm>>
      %dma_wait3A_54 = tpu.memref_squeeze %dma_wait3A_53 : memref<1x3072xf32, #tpu.memory_space<hbm>> -> memref<3072xf32, #tpu.memory_space<hbm>>
      tpu.wait_dma2 semaphore(%run_scoped3A : memref<!tpu.dma_semaphore, #tpu.memory_space<semaphore_mem>>) src(%dma_wait3A_54 : memref<3072xf32, #tpu.memory_space<hbm>>) dst(%arg6 : memref<3072xf32, #tpu.memory_space<vmem>>)
      tpu.yield
    }) : () -> ()
    %scan3A = arith.constant 0 : i32
    %scan3A_33 = arith.constant 0 : i32
    %scan3A_34 = arith.constant 512 : i32
    %scan3A_35 = arith.addi %scan3A_33, %scan3A_34 : i32
    %scan3A_36 = arith.constant 1 : i32
    %scan3A_37 = scf.for %scan3A_44 = %scan3A_33 to %scan3A_35 step %scan3A_36 iter_args(%scan3A_45 = %scan3A) -> (i32)  : i32 {
      %get3A = arith.index_cast %scan3A_44 : i32 to index
      %get3A_46 = tpu.vector_load %arg5[%get3A] {strides = array<i32>} : memref<512xi32, #tpu.memory_space<vmem>>, vector<1xi32>,
      %get3A_47 = vector.shape_cast %get3A_46 : vector<1xi32> to vector<1xi32>
      %squeeze3A = vector.extract %get3A_47[0] : i32 from vector<1xi32>
      %mul3A_48 = arith.constant 1024 : i32
      %mul3A_49 = arith.muli %squeeze3A, %mul3A_48 : i32
      %add3A_50 = arith.addi %mul3A_32, %scan3A_44 : i32
      %dma_start3A = tpu.memref_slice %arg6[%mul3A_49] : memref<3072xf32, #tpu.memory_space<vmem>> -> memref<1024xf32, #tpu.memory_space<vmem>>
      %dma_start3A_51 = arith.constant 0 : i32
      %dma_start3A_52 = tpu.memref_slice %arg4[%select_n3A, %add3A_50, %dma_start3A_51] : memref<4x4096x1024xf32, #tpu.memory_space<hbm>> -> memref<1x1x1024xf32, #tpu.memory_space<hbm>>
      %dma_start3A_53 = tpu.memref_squeeze %dma_start3A_52 : memref<1x1x1024xf32, #tpu.memory_space<hbm>> -> memref<1024xf32, #tpu.memory_space<hbm>>
      %dma_start3A_54 = arith.constant 0 : i32
      %dma_start3A_55 = tpu.memref_slice %arg4[%select_n3A, %add3A_50, %dma_start3A_54] : memref<4x4096x1024xf32, #tpu.memory_space<hbm>> -> memref<1x1x1024xf32, #tpu.memory_space<hbm>>
      %dma_start3A_56 = tpu.memref_squeeze %dma_start3A_55 : memref<1x1x1024xf32, #tpu.memory_space<hbm>> -> memref<1024xf32, #tpu.memory_space<hbm>>
      %dma_start3A_57 = tpu.memref_slice %arg6[%mul3A_49] : memref<3072xf32, #tpu.memory_space<vmem>> -> memref<1024xf32, #tpu.memory_space<vmem>>
      tpu.enqueue_dma source(%dma_start3A_57 : memref<1024xf32, #tpu.memory_space<vmem>>) target(%dma_start3A_56 : memref<1024xf32, #tpu.memory_space<hbm>>) target_semaphore(%arg7 : memref<!tpu.dma_semaphore, #tpu.memory_space<semaphore_mem>>)
      %scan3A_58 = arith.constant 0 : i32
      scf.yield %scan3A_58 : i32
    }
    %scan3A_38 = arith.constant 512 : i32
    %dma_wait3A = arith.constant 0 : i32
    %dma_wait3A_39 = tpu.memref_slice %arg4[%select_n3A, %mul3A_32, %dma_wait3A] : memref<4x4096x1024xf32, #tpu.memory_space<hbm>> -> memref<1x512x1024xf32, #tpu.memory_space<hbm>>
    %dma_wait3A_40 = tpu.memref_squeeze %dma_wait3A_39 : memref<1x512x1024xf32, #tpu.memory_space<hbm>> -> memref<512x1024xf32, #tpu.memory_space<hbm>>
    %dma_wait3A_41 = arith.constant 0 : i32
    %dma_wait3A_42 = tpu.memref_slice %arg4[%select_n3A, %mul3A_32, %dma_wait3A_41] : memref<4x4096x1024xf32, #tpu.memory_space<hbm>> -> memref<1x512x1024xf32, #tpu.memory_space<hbm>>
    %dma_wait3A_43 = tpu.memref_squeeze %dma_wait3A_42 : memref<1x512x1024xf32, #tpu.memory_space<hbm>> -> memref<512x1024xf32, #tpu.memory_space<hbm>>
    tpu.wait_dma2 semaphore(%arg7 : memref<!tpu.dma_semaphore, #tpu.memory_space<semaphore_mem>>) src(%dma_wait3A_43 : memref<512x1024xf32, #tpu.memory_space<hbm>>) dst(%dma_wait3A_40 : memref<512x1024xf32, #tpu.memory_space<hbm>>)
    return
  }
}

</mosaic_0001>

<sc_bundles>
// kernel: _sc_embed.3.cloned.1.call-start
scs
__scs_entry_jumppad:
0x0: {  	(pc) =	sbr.rel $0x88, $3  }
0x1: {  	(tag) =	ssettag $0x0;
	lr =	simm.s32 $0x1  }
0x2: {  	[smem:$0x3F9F] =	sst lr;
	_ =	strace $0xD0000000  }
0x3: {  	_ = 	snop  }
0x4: {  	_ = 	snop  }
0x5: {  	_ = 	snop  }
0x6: {  	_ = 	snop  }
0x7: {  	_ = 	snop  }
__scs_overlays_trampoline_lowered:
0x8: {  	[smem:$0x3FAE] =	sst s0  }
0x9: {  	[smem:$0x3FAF] =	sst s1  }
0xa: {  	[smem:$0x3FB0] =	sst s2  }
0xb: {  	[smem:$0x3FB1] =	sst s3  }
0xc: {  	[smem:$0x3FB2] =	sst s4  }
0xd: {  	[smem:$0x3FB3] =	sst s5  }
0xe: {  	[smem:$0x3FB4] =	sst s6  }
0xf: {  	[smem:$0x3FB5] =	sst s7  }
0x10: {  	[smem:$0x3FB6] =	sst s8  }
0x11: {  	[smem:$0x3FB7] =	sst s9;
	s0 =	simm.s32 @!p0 $0x0  }
0x12: {  	s1 =	sld [smem:$0x3F9D];
	s0 =	simm.s32 @p0 $0x1  }
0x13: {  	[smem:$0x3FB8] =	sst s0;
	s0 =	simm.s32 @!p1 $0x0  }
0x14: {  	s2 =	sld [smem:$0x3F9C];
	s0 =	simm.s32 @p1 $0x1  }
0x15: {  	[smem:$0x3FB9] =	sst s0;
	s0 =	simm.s32 @!p2 $0x0  }
0x16: {  	s3 =	sld [smem:$0x3FDB];
	s0 =	simm.s32 @p2 $0x1  }
0x17: {  	s4 =	simm.s32 $0x1BF5;
	[smem:$0x3FBB] =	sst s0  }
0x18: {  	s0 =	sld [smem:$0x3F9E];
	_ =	swait.ge [sflag:s4], $0x0  }
0x19: {  	s7 =	sld [smem:$0x3F9F]  }
0x1a: {  	s8 =	sadd.s32 $0xFFFFE003, lr  }
0x1b: {  	s9 =	sadd.s32 $0xFFFFFEF7, lr;
	s5 =	simm.s32 $0xFFFFFFFF;
	p2 =	slt.u32 s8, $0xFFFFF086  }
0x1c: {  	p1 =	slt.u32 s9, $0xF7A;
	s5 =	simm.s32 @!p2 $0x0  }
0x1d: {  	s5 =	simm.s32 @p1 $0x1;
	p0 =	seq.s32 s7, s2  }
0x1e: {  	s7 =	smul.u32 @!p0 $0xF7A, s2;
	p2 =	seq.s32 @!p0 s5, $0x0  }
0x1f: {  	s9 =	smul.u32 $0xF7A, s1;
	s8 =	simm.s32 @!p0 $0x1BF5;
	p2 =	por !p2, p0  }
0x20: {  	[sflag:s8] =	ssyncset.s32 @!p0 $0xFFFFF086;
	s6 =	sadd.s32 @!p0 s3, s7;
	s7 =	simm.s32 @!p0 $0x108  }
0x21: {  	s3 =	sadd.s32 s3, s9;
	s6 =	sadd.s32 @!p0 $0x88, s6;
	s7 =	simm.s32 @p2 $0x1082  }
0x22: {  	[simem:s7], [sflag:s8] =	dma.local @!p0 [hbm:s6], $0xF7A  }
0x23: {  	s9 =	sor.u32 $0xD0000000, s2;
	s6 =	simm.s32 $0x108;
	_ =	swait.ge @!p0 [sflag:s8], $0x0  }
0x24: {  	s3 =	sadd.s32 $0x88, s3;
	s6 =	simm.s32 @!p1 $0x1082;
	[sflag:s4] =	ssyncset.s32 $0xFFFFF086  }
0x25: {  	[simem:s6], [sflag:s4] =	dma.local [hbm:s3], $0xF7A  }
0x26: {  	[smem:$0x3F9F] =	sst s1;
	(tag) =	ssettag s2;
	_ =	strace s9  }
0x27: {  	s1 =	sld [smem:$0x3FAF]  }
0x28: {  	s2 =	sld [smem:$0x3FB0]  }
0x29: {  	s4 =	sld [smem:$0x3FB2]  }
0x2a: {  	p0 =	seq.s32 s5, $0x0;
	s5 =	sld [smem:$0x3FB3]  }
0x2b: {  	s6 =	sld [smem:$0x3FB4]  }
0x2c: {  	s7 =	sld [smem:$0x3FB5]  }
0x2d: {  	s3 =	simm.s32 $0x108;
	s8 =	sld [smem:$0x3FB6]  }
0x2e: {  	s3 =	simm.s32 @!p0 $0x1082;
	s9 =	sld [smem:$0x3FB7]  }
0x2f: {  	lr =	sadd.s32 s0, s3;
	s0 =	sld [smem:$0x3FAE]  }
0x30: {  	s3 =	sld [smem:$0x3FB1]  }
0x31: {  	[smem:$0x3FBA] =	sst s10  }
0x32: {  	s10 =	sld [smem:$0x3FB8];
	_ =	sdelay $0x3  }
0x33: {  	p0 =	seq.s32 s10, $0x1;
	s10 =	sld [smem:$0x3FBA];
	_ =	sdelay $0x3  }
0x34: {  	[smem:$0x3FBA] =	sst s10  }
0x35: {  	s10 =	sld [smem:$0x3FB9];
	_ =	sdelay $0x3  }
0x36: {  	p1 =	seq.s32 s10, $0x1;
	s10 =	sld [smem:$0x3FBA];
	_ =	sdelay $0x3  }
0x37: {  	[smem:$0x3FBA] =	sst s10  }
0x38: {  	s10 =	sld [smem:$0x3FBB]  }
0x39: {  	_ = 	snop;
	(pc) =	sbr.ind lr, $3  }
0x3a: {  	_ = 	snop  }
0x3b: {  	_ = 	snop  }
0x3c: {  	p2 =	seq.s32 s10, $0x1;
	s10 =	sld [smem:$0x3FBA]  }
0x3d: {  	_ =	shalt  }
0x3e: {  	_ =	shalt  }
0x3f: {  	_ =	shalt  }
0x40: {  	_ =	shalt  }
0x41: {  	_ =	shalt  }
0x42: {  	_ =	shalt  }
0x43: {  	_ =	shalt  }
0x44: {  	_ =	shalt  }
0x45: {  	_ =	shalt  }
0x46: {  	_ =	shalt  }
0x47: {  	_ =	shalt  }
0x48: {  	_ =	shalt  }
0x49: {  	_ =	shalt  }
0x4a: {  	_ =	shalt  }
0x4b: {  	_ =	shalt  }
0x4c: {  	_ =	shalt  }
0x4d: {  	_ =	shalt  }
0x4e: {  	_ =	shalt  }
0x4f: {  	_ =	shalt  }
0x50: {  	_ =	shalt  }
0x51: {  	_ =	shalt  }
0x52: {  	_ =	shalt  }
0x53: {  	_ =	shalt  }
0x54: {  	_ =	shalt  }
0x55: {  	_ =	shalt  }
0x56: {  	_ =	shalt  }
0x57: {  	_ =	shalt  }
0x58: {  	_ =	shalt  }
0x59: {  	_ =	shalt  }
0x5a: {  	_ =	shalt  }
0x5b: {  	_ =	shalt  }
0x5c: {  	_ =	shalt  }
0x5d: {  	_ =	shalt  }
0x5e: {  	_ =	shalt  }
0x5f: {  	_ =	shalt  }
0x60: {  	_ =	shalt  }
0x61: {  	_ =	shalt  }
0x62: {  	_ =	shalt  }
0x63: {  	_ =	shalt  }
0x64: {  	_ =	shalt  }
0x65: {  	_ =	shalt  }
0x66: {  	_ =	shalt  }
0x67: {  	_ =	shalt  }
0x68: {  	_ =	shalt  }
0x69: {  	_ =	shalt  }
0x6a: {  	_ =	shalt  }
0x6b: {  	_ =	shalt  }
0x6c: {  	_ =	shalt  }
0x6d: {  	_ =	shalt  }
0x6e: {  	_ =	shalt  }
0x6f: {  	_ =	shalt  }
0x70: {  	_ =	shalt  }
0x71: {  	_ =	shalt  }
0x72: {  	_ =	shalt  }
0x73: {  	_ =	shalt  }
0x74: {  	_ =	shalt  }
0x75: {  	_ =	shalt  }
0x76: {  	_ =	shalt  }
0x77: {  	_ =	shalt  }
0x78: {  	_ =	shalt  }
0x79: {  	_ =	shalt  }
0x7a: {  	_ =	shalt  }
0x7b: {  	_ =	shalt  }
0x7c: {  	_ =	shalt  }
0x7d: {  	_ =	shalt  }
0x7e: {  	_ =	shalt  }
0x7f: {  	_ =	shalt  }
0x80: {  	_ =	shalt  }
0x81: {  	_ =	shalt  }
0x82: {  	_ =	shalt  }
0x83: {  	_ =	shalt  }
0x84: {  	_ =	shalt  }
0x85: {  	_ =	shalt  }
0x86: {  	_ =	shalt  }
0x87: {  	_ =	shalt  }
.Lfunc_end0:
.L_simem_size_0:
called_computation_lowered:
.L_overlay_start_0:
0x88: {  	s2 =	sld [smem:$0x3FD9]  }
0x89: {  	s3 =	sld [smem:$0x3FFE];
	_ =	sdelay $0x1  }
0x8a: {  	s1 =	srdreg.scid  }
0x8b: {  	s0 =	sand.u32 $0x1, s1  }
0x8c: {  	s18 =	sshll.u32 s0, $0xA;
	s2 =	sadd.s32 s3, s2  }
0x8d: {  	s2 =	sadd.s32 s2, s18  }
0x8e: {  	[smem:$0x3FC6] =	sst s2  }
0x8f: {  	_ = 	snop  }
0x90: {  	s2 =	sld [smem:$0x3FC9]  }
0x91: {  	s19 =	sld [smem:$0x3FC8]  }
0x92: {  	s4 =	sld [smem:$0x3FD0];
	(tm) =	ssettm $0x1  }
0x93: {  	s5 =	sld [smem:$0x3FFB];
	_ =	sdelay $0x3  }
0x94: {  	_ =	strace s5  }
0x95: {  	s5 =	sld [smem:$0x3FFC];
	_ =	sdelay $0x3  }
0x96: {  	_ =	strace s5  }
0x97: {  	s5 =	sld [smem:$0x3FFD];
	_ =	sdelay $0x3  }
0x98: {  	_ =	strace s5  }
0x99: {  	_ =	strace $0x8FFFFFFF  }
0x9a: {  	s20 =	sld [smem:$0x3FDB];
	_ =	sdelay $0x1  }
0x9b: {  	s6 =	simm.s32 $_scs_section_size  }
0x9c: {  	s7 =	simm.s32 $_size__tile_overlayer_lowered;
	s8 =	simm.s32 $_tile_overlayer_lowered  }
0x9d: {  	s23 =	simm.s32 $0x1BFF;
	s22 =	sshll.u32 s8, $0x1;
	s5 =	sadd.s32 s6, s20  }
0x9e: {  	s9 =	simm.s32 $0x0;
	s21 =	sshll.u32 s7, $0x1;
	s7 =	sadd.s32 s22, s5  }
0x9f: {  	[timem:s9], [sflag:s23] =	dma.local [hbm:s7], s21  }
0xa0: {  	_ =	swait.ge [sflag:s23], s21  }
0xa1: {  	s6 =	ssub.s32 $0x0, s21;
	[sflag:s23] =	ssyncset.done $0x0  }
0xa2: {  	[sflag:s23] =	ssyncadd.s32 s6;
	_ =	sdelay $0x1  }
0xa3: {  	s24 =	simm.s32 $0x1B8B  }
0xa4: {  	_ =	swait.ge [sflag:s24], $0x1  }
0xa5: {  	[sflag:s24] =	ssyncset.done $0x0  }
0xa6: {  	s25 =	simm.s32 $0x1B8E;
	[sflag:s24] =	ssyncadd.s32 $0xFFFFFFFF  }
0xa7: {  	s26 =	simm.s32 $execute0_lowered;
	[smem:$0x3FD2] =	sst s25  }
0xa8: {  	s6 =	sshll.u32 s26, $0x1;
	_ =	strace $0x80000046;
	[dreg:$0x1] =	wrdreg $0xFFFFFFFF  }
0xa9: {  	s28 =	simm.s32 $_size_execute0_lowered;
	s5 =	sadd.s32 s5, s6;
	[dreg:$0x0] =	wrdreg $0x0  }
0xaa: {  	s6 =	sshll.u32 s28, $0x1;
	[dreg:$0x2] =	wrdreg s5  }
0xab: {  	[dreg:$0x3] =	wrdreg s6  }
0xac: {  	[dreg:$0x4] =	wrdreg $0xC0  }
0xad: {  	_ =	task [dreg:s9], $0x5FFFF  }
0xae: {  	[dreg:$0x1] =	wrdreg $0xFFFFFFFF  }
0xaf: {  	[dreg:$0x0] =	wrdreg $0x60  }
0xb0: {  	[dreg:$0x2] =	wrdreg s2  }
0xb1: {  	[dreg:$0x3] =	wrdreg s19  }
0xb2: {  	[dreg:$0x4] =	wrdreg s4  }
0xb3: {  	[dreg:$0x5] =	wrdreg $0x9  }
0xb4: {  	_ =	task.clear_ibuf [dreg:s9], $0x6FFFF;
	_ =	strace $0x90000046  }
0xb5: {  	s29 =	simm.s32 $0x9;
	_ =	strace $0x80000048  }
0xb6: {  	_ =	swait.ge [sflag:s29], $0x1  }
0xb7: {  	[sflag:s29] =	ssyncadd.s32 $0xFFFFFFFF  }
0xb8: {  	_ =	strace $0x90000048  }
0xb9: {  	_ =	sfence  }
0xba: {  	s30 =	sld [smem:$0x0];
	_ =	sdelay $0x2  }
0xbb: {  	s31 =	sshll.u32 s1, $0xD;
	s1 =	sshrl.u32 s1, $0x2  }
0xbc: {  	s3 =	sand.u32 $0x4000, s31;
	s1 =	sadd.s32 s1, s30  }
0xbd: {  	s0 =	sor.u32 s3, s0;
	s1 =	sshll.u32 s1, $0x11  }
0xbe: {  	s0 =	sor.u32 s1, s0  }
0xbf: {  	s0 =	sadd.s32 $0x8F2B, s0  }
0xc0: {  	[sflag:s0] =	ssyncadd.remote.s32 $0x1  }
0xc1: {  	_ =	sfence.sel $0xFFFF  }
0xc2: {  	[dreg:$0x0] =	wrdreg $0xFFFFFFFF;
	(pc) =	sbr.abs _section_cstart, $3  }
0xc3: {  	[dreg:$0x1] =	wrdreg $0xFFFFFFFF  }
0xc4: {  	_ =	task.clear_ibuf [dreg:s9], $0x2FFFF;
	_ =	strace $0x9FFFFFFF  }
0xc5: {  	(tm) =	ssettm $0x7FFFFFFF  }
tec
execute0_lowered:
.L_overlay_start_1:
0x0: {  	(tag) =	ssettag $0x1  }
0x1: {  	s4 =	rddreg [dreg:$0x0]  }
0x2: {  	s5 =	rddreg [dreg:$0x1]  }
0x3: {  	s2 =	rddreg [dreg:$0x2]  }
0x4: {  	s0 =	rddreg [dreg:$0x3];
	s6 =	srdreg.scid  }
0x5: {  	s3 =	simm.s32 $0x0;
	s1 =	stileid.u32;
	s12 =	simm.s32 $0x200  }
0x6: {  	s13 =	simm.s32 $0x1;
	s14 =	simm.s32 $0x0;
	s6 =	sand.u32 $0x1, s6  }
0x7: {  	[smem:$0x7FF] =	sst s3;
	s7 =	sshll.u32 s1, $0x8;
	s10 =	sshrl.u32 s1, $0x2  }
0x8: {  	s30 =	sshll.u32 s1, $0x11;
	s8 =	sshll.u32 s6, $0x7;
	s9 =	ssub.s32 $0x2, s6  }
0x9: {  	s29 =	sshll.u32 s10, $0xC;
	s10 =	smul.u32 $0x6000, s10;
	_ =	strace $0x80000047  }
0xa: {  	s6 =	sshll.u32 s6, $0x10;
	s7 =	sor.u32 s8, s7;
	s11 =	sshrl.u32 s9, $0x1  }
0xb: {  	s31 =	sor.u32 s6, s30;
	s6 =	sand.u32 $0x180000, s30;
	s7 =	sand.u32 $0x380, s7  }
0xc: {  	s9 =	ssub.s32 s9, s11;
	s8 =	sor.u32 s29, s7;
	s7 =	sor.u32 s10, s7  }
0xd: {  	s11 =	simm.s32 $0x2;
	s8 =	sshrl.u32 s8, $0x3;
	s7 =	sshrl.u32 s7, $0x3  }
0xe: {  	s10 =	simm.s32 $0x400;
	s4 =	sadd.s32 s4, s8;
	s5 =	sadd.s32 s5, s7  }
0xf: {  	s7 =	smax.u32 s9, $0x1;
	s8 =	sand.u32 $0x70000, s31;
	s9 =	simm.s32 $0x80  }
.LBB2_1:
0x10: {  	[tilespmem:s3], [sflag:$0x2] =	stream.strided.gather [hbm4b:s4+s9], $0x200, s10, s9, $0x38;
	[tilespmem:$0xE00] =	vst v63  }
0x11: {  	_ =	swait.ge [sflag:s11], $0x200  }
0x12: {  	[sflag:s11] =	ssyncset.done $0x0  }
0x13: {  	[sflag:s11] =	ssyncadd.s32 $0xFFFFFE00  }
0x14: {  	[tilespmem:s12], [sflag:$0x2] =	stream.strided.gather [hbm4b:s5+s9], $0xC00, s10, s9, $0x38;
	[tilespmem:$0xE00] =	vst v63  }
0x15: {  	_ =	swait.ge [sflag:s11], $0xC00  }
0x16: {  	[sflag:s11] =	ssyncset.done $0x0  }
0x17: {  	[sflag:s11] =	ssyncadd.s32 $0xFFFFF400  }
0x18: {  	v0 =	vld.msk [tilespmem:s3+$0x0], $0x1;
	_ =	sdelay $0x4  }
0x19: {  	(v2sf) =	vpush v0, $0x0;
	_ =	sdelay $0xe  }
0x1a: {  	s15 =	spop (v2sf)  }
0x1b: {  	s16 =	sand.u32 $0x7FC00, s8;
	s17 =	sand.u32 $0x70, s3;
	s15 =	sshll.u32 s15, $0xC  }
0x1c: {  	s16 =	sor.u32 s16, s6;
	s17 =	sadd.s32 s2, s17;
	s15 =	sshra.s32 s15, $0x2  }
0x1d: {  	s16 =	sadd.s32 s16, s17;
	s15 =	sor.u32 $0x200, s15  }
0x1e: {  	[hbm4b:s16+s9] =	stream.strided.scatter [tilespmem:s15], [sflag:$0x1], $0x400, s10, s9, $0x38;
	[tilespmem:$0xE00] =	vst v63  }
0x1f: {  	s15 =	simm.s32 $0x1  }
0x20: {  	s18 =	simm.s32 $0x10;
	s17 =	simm.s32 $0x20;
	s16 =	smov.u32 s8;
	v0 =	vld.msk [tilespmem:s15+$0x0], $0x1  }
.LBB2_2:
0x21: {  	p0 =	sne.s32 s17, $0x1FF0;
	_ =	sdelay $0x3  }
0x22: {  	(v2sf) =	vpush v0, $0x0;
	_ =	sdelay $0xe  }
0x23: {  	s16 =	sadd.s32 $0x80, s16;
	s18 =	sand.u32 $0x70, s18;
	s19 =	spop (v2sf)  }
.Ltmp0:
0x24: {  	s20 =	sand.u32 $0x7FC00, s16;
	s19 =	sshll.u32 s19, $0xC;
	(pc) =	sbr.rel @p0 .LBB2_2-.Ltmp0, $4  }
0x25: {  	s18 =	sadd.s32 s2, s18;
	s20 =	sor.u32 s20, s6;
	s19 =	sshra.s32 s19, $0x2  }
0x26: {  	s15 =	sadd.s32 $0x1, s15;
	s18 =	sadd.s32 s20, s18;
	s19 =	sor.u32 $0x200, s19  }
0x27: {  	[hbm4b:s18+s9] =	stream.strided.scatter [tilespmem:s19], [sflag:$0x1], $0x400, s10, s9, $0x38;
	[tilespmem:$0xE00] =	vst v63  }
0x28: {  	s18 =	smov.u32 s17;
	s17 =	sadd.s32 $0x10, s17;
	v0 =	vld.msk [tilespmem:s15+$0x0], $0x1  }
0x29: {  	_ =	sdelay $0x3  }
0x2a: {  	(v2sf) =	vpush v0, $0x0;
	_ =	sdelay $0xd  }
0x2b: {  	s16 =	sadd.s32 $0x80, s16  }
0x2c: {  	s17 =	sand.u32 $0x70, s18;
	s14 =	sadd.s32 $0x1, s14;
	s15 =	spop (v2sf)  }
0x2d: {  	s16 =	sand.u32 $0x7FC00, s16;
	s17 =	sadd.s32 s2, s17;
	s15 =	sshll.u32 s15, $0xC  }
0x2e: {  	p0 =	sne.s32 s14, s7;
	s16 =	sor.u32 s16, s6;
	s15 =	sshra.s32 s15, $0x2  }
.Ltmp1:
0x2f: {  	s16 =	sadd.s32 s16, s17;
	s15 =	sor.u32 $0x200, s15;
	(pc) =	sbr.rel @p0 .LBB2_1-.Ltmp1, $4  }
0x30: {  	[hbm4b:s16+s9] =	stream.strided.scatter [tilespmem:s15], [sflag:$0x1], $0x400, s10, s9, $0x38;
	[tilespmem:$0xE00] =	vst v63  }
0x31: {  	_ =	swait.ge [sflag:s13], $0x10000  }
0x32: {  	[sflag:s13] =	ssyncset.done $0x0  }
0x33: {  	[sflag:s13] =	ssyncadd.s32 $0xFFFF0000  }
0x34: {  	_ =	sfence.sel $0x180000  }
0x35: {  	[bflag:$0x0] =	sbarrier.arrive $0xFFFF  }
0x36: {  	p0 =	sne.s32 s1, $0x0;
	_ =	strace $0x90000047  }
0x37: {  	s0 =	sadd.s32 @!p0 $0x100000, s0;
	[bflag:$0x2] =	sbarrier.arrive $0xFFFF  }
0x38: {  	[sflag:s0] =	ssyncadd.tile.s32 @!p0 $0x1;
	_ =	shalt  }
.Lfunc_end2:
_tile_overlayer_lowered:
.L_overlay_start_2:
0x39: {  	(tag) =	ssettag $0x2  }
0x3a: {  	s0 =	rddreg [dreg:$0x0];
	s2 =	stileid.u32  }
0x3b: {  	s1 =	rddreg [dreg:$0x1];
	p0 =	sne.s32 s2, $0x0  }
0x3c: {  	s3 =	rddreg [dreg:$0x2];
	[bflag:$0x3] =	sbarrier.arrive $0xFFFF;
	s2 =	simm.s32 @!p0 $0x1C02  }
0x3d: {  	[timem:s3], [sflag:s2] =	dma.local @!p0 [hbm:s0], s1  }
0x3e: {  	s0 =	simm.s32 @!p0 $0x2  }
0x3f: {  	_ =	swait.ge @!p0 [sflag:s0], s1  }
0x40: {  	s1 =	ssub.s32 @!p0 $0x0, s1;
	[sflag:s0] =	ssyncset.done @!p0 $0x0  }
0x41: {  	[sflag:s0] =	ssyncadd.s32 @!p0 s1  }
0x42: {  	[bflag:$0x3] =	sbarrier.arrive $0xFFFF  }
0x43: {  	_ =	shalt  }

</sc_bundles>
